<compile_context>
chip_gen: v7x
topology: tpu7x:2x2x1
jax: 0.10.2.dev20260603
libtpu: 0.0.44.dev20260713+nightly
codegen_flags: <defaults>
</compile_context>

<pallas_src>
import functools

import jax
import jax.numpy as jnp
from jax.experimental import pallas as pl


def _stats_kernel(x_ref, sum_ref, sq_ref):
    j = pl.program_id(1)
    blk = x_ref[0]
    s = jnp.sum(blk, axis=1, keepdims=True)
    sq = jnp.sum(blk * blk, axis=1, keepdims=True)

    @pl.when(j == 0)
    def _init():
        sum_ref[0] = s
        sq_ref[0] = sq

    @pl.when(j != 0)
    def _acc():
        sum_ref[0] += s
        sq_ref[0] += sq


def _apply_kernel(x_ref, seg_ref, sum_ref, sq_ref, gt_ref, bt_ref, o_ref,
                  *, n_pix, n_cls):
    xb = x_ref[0]
    seg = seg_ref[0]

    maxv = jnp.max(seg, axis=0, keepdims=True)
    classes = jax.lax.broadcasted_iota(jnp.int32, (n_cls, 1), 0)
    idx = jnp.where(seg == maxv, classes, n_cls)
    best = jnp.min(idx, axis=0, keepdims=True)

    onehot = (classes == best).astype(jnp.float32)
    gamma_pix = jnp.dot(gt_ref[...], onehot,
                        preferred_element_type=jnp.float32)
    beta_pix = jnp.dot(bt_ref[...], onehot,
                       preferred_element_type=jnp.float32)

    inv_n = 1.0 / n_pix
    mean = sum_ref[0] * inv_n
    var = sq_ref[0] * inv_n - mean * mean
    rstd = jax.lax.rsqrt(var + 1e-5)

    o_ref[0] = (xb - mean) * rstd * gamma_pix + beta_pix


def kernel(x, segmap, gamma_table, beta_table):
    B, C, H, W = x.shape
    K = segmap.shape[1]
    HW = H * W

    xf = x.reshape(B, C, HW)
    segf = segmap.reshape(B, K, HW)
    gt = gamma_table.T
    bt = beta_table.T

    P = 4096
    assert HW % P == 0
    NP = HW // P

    xsum, xsq = pl.pallas_call(
        _stats_kernel,
        grid=(B, NP),
        in_specs=[pl.BlockSpec((1, C, P), lambda b, j: (b, 0, j))],
        out_specs=[
            pl.BlockSpec((1, C, 1), lambda b, j: (b, 0, 0)),
            pl.BlockSpec((1, C, 1), lambda b, j: (b, 0, 0)),
        ],
        out_shape=[
            jax.ShapeDtypeStruct((B, C, 1), jnp.float32),
            jax.ShapeDtypeStruct((B, C, 1), jnp.float32),
        ],
    )(xf)

    out = pl.pallas_call(
        functools.partial(_apply_kernel, n_pix=float(HW), n_cls=K),
        grid=(B, NP),
        in_specs=[
            pl.BlockSpec((1, C, P), lambda b, j: (b, 0, j)),
            pl.BlockSpec((1, K, P), lambda b, j: (b, 0, j)),
            pl.BlockSpec((1, C, 1), lambda b, j: (b, 0, 0)),
            pl.BlockSpec((1, C, 1), lambda b, j: (b, 0, 0)),
            pl.BlockSpec((C, K), lambda b, j: (0, 0)),
            pl.BlockSpec((C, K), lambda b, j: (0, 0)),
        ],
        out_specs=pl.BlockSpec((1, C, P), lambda b, j: (b, 0, j)),
        out_shape=jax.ShapeDtypeStruct((B, C, HW), jnp.float32),
    )(xf, segf, xsum, xsq, gt, bt)

    return out.reshape(B, C, H, W)

# --- scband reference (transcript-rebuilt; emitter-appended) ---
"""Pipeline reference for scband-variation-aware-clade-50113678410033 (READ-ONLY COPY).

The authoritative reference and input builder live on the scoring server;
editing this copy changes nothing except your own understanding.
"""

import jax, jax.numpy as jnp
import numpy as np

LABEL_NC = 35
NORM_NC = 96

def setup_inputs(seed: int = 0) -> dict:
    key = jax.random.key(seed)
    k1, k2, k3 = jax.random.split(key, 3)
    x = jax.random.normal(k1, (2, NORM_NC, 384, 384), dtype=jnp.float32)
    segmap = jax.random.uniform(k2, (2, LABEL_NC, 384, 384), dtype=jnp.float32)
    # learned class-wise affine tables (CLADE): gamma ~ U[0,1), beta = 0
    gamma_table = jax.random.uniform(k3, (LABEL_NC, NORM_NC), dtype=jnp.float32)
    beta_table = jnp.zeros((LABEL_NC, NORM_NC), dtype=jnp.float32)
    return {"x": x, "segmap": segmap, "gamma_table": gamma_table, "beta_table": beta_table}

def reference(x, segmap, gamma_table, beta_table):
    # param_free_norm: InstanceNorm2d(affine=False), eps=1e-5, biased variance
    mean = jnp.mean(x, axis=(2, 3), keepdims=True)
    var = jnp.var(x, axis=(2, 3), keepdims=True)
    normalized = (x - mean) / jnp.sqrt(var + 1e-5)
    # F.interpolate(segmap, size=x.shape[2:], mode='nearest') is identity here
    # (segmap already matches spatial size)
    # no_instance=True -> no inst channel split, no inst_conv
    # VariationAffineCLADE with noise_nc='zero', pos='no':
    arg_mask = jnp.argmax(segmap, axis=1)  # [B, H, W] int
    gamma_seg = jnp.take(gamma_table, arg_mask, axis=0)  # [B, H, W, C]
    gamma_seg = jnp.transpose(gamma_seg, (0, 3, 1, 2))   # [B, C, H, W]
    beta_seg = jnp.take(beta_table, arg_mask, axis=0)
    beta_seg = jnp.transpose(beta_seg, (0, 3, 1, 2))
    out = normalized * gamma_seg + beta_seg
    return out

if __name__ == "__main__":
    import jax
    _d = setup_inputs()
    print(jax.jit(kernel)(*tuple(_d.values())))

</pallas_src>

<mosaic_0001>
module attributes {stable_mosaic.version = 14 : i64} {
  func.func @_stats_kernel(%arg0: i32, %arg1: i32, %arg2: memref<1x96x4096xf32, #tpu.memory_space<vmem>>, %arg3: memref<1x96x1xf32, #tpu.memory_space<vmem>>, %arg4: memref<1x96x1xf32, #tpu.memory_space<vmem>>) attributes {dimension_semantics = [#tpu.dimension_semantics<arbitrary>, #tpu.dimension_semantics<arbitrary>], iteration_bounds = array<i64: 2, 36>, scalar_prefetch = 0 : i64, scratch_operands = 0 : i64, tpu.core_type = #tpu.core_type<tc>, window_params = [{transform_indices = @transform_0, window_bounds = array<i64: 1, 96, 4096>}, {transform_indices = @transform_1, window_bounds = array<i64: 1, 96, 1>}, {transform_indices = @transform_2, window_bounds = array<i64: 1, 96, 1>}]} {
    %get3A = arith.constant 0 : index
    %get3A_0 = arith.constant 0 : index
    %get3A_1 = arith.constant 0 : index
    %get3A_2 = vector.load %arg2[%get3A, %get3A_0, %get3A_1] : memref<1x96x4096xf32, #tpu.memory_space<vmem>>, vector<1x96x4096xf32>
    %get3A_3 = vector.shape_cast %get3A_2 : vector<1x96x4096xf32> to vector<96x4096xf32>
    %reduce_sum3A = arith.constant dense<0.000000e+00> : vector<96xf32>
    %reduce_sum3A_4 = vector.multi_reduction <add>, %get3A_3, %reduce_sum3A [1] : vector<96x4096xf32> to vector<96xf32>
    %broadcast_in_dim3A = vector.shape_cast %reduce_sum3A_4 : vector<96xf32> to vector<96x1xf32>
    %mul3A = arith.mulf %get3A_3, %get3A_3 : vector<96x4096xf32>
    %reduce_sum3A_5 = arith.constant dense<0.000000e+00> : vector<96xf32>
    %reduce_sum3A_6 = vector.multi_reduction <add>, %mul3A, %reduce_sum3A_5 [1] : vector<96x4096xf32> to vector<96xf32>
    %broadcast_in_dim3A_7 = vector.shape_cast %reduce_sum3A_6 : vector<96xf32> to vector<96x1xf32>
    %eq3A = arith.constant 0 : i32
    %eq3A_8 = arith.cmpi eq, %arg1, %eq3A : i32
    %convert_element_type3A = arith.extui %eq3A_8 : i1 to i32
    %cond3A = arith.constant 0 : i32
    %cond3A_9 = arith.cmpi ne, %convert_element_type3A, %cond3A : i32
    scf.if %cond3A_9 {
      %swap3A = arith.constant 0 : index
      %swap3A_14 = arith.constant 0 : index
      %swap3A_15 = arith.constant 0 : index
      %swap3A_16 = vector.load %arg3[%swap3A, %swap3A_14, %swap3A_15] : memref<1x96x1xf32, #tpu.memory_space<vmem>>, vector<1x96x1xf32>
      %swap3A_17 = vector.shape_cast %swap3A_16 : vector<1x96x1xf32> to vector<96x1xf32>
      %swap3A_18 = vector.shape_cast %broadcast_in_dim3A : vector<96x1xf32> to vector<1x96x1xf32>
      tpu.vector_store %arg3[%swap3A, %swap3A_14, %swap3A_15], %swap3A_18 {strides = array<i32>} : memref<1x96x1xf32, #tpu.memory_space<vmem>>, vector<1x96x1xf32>,
      %swap3A_19 = arith.constant 0 : index
      %swap3A_20 = arith.constant 0 : index
      %swap3A_21 = arith.constant 0 : index
      %swap3A_22 = vector.load %arg4[%swap3A_19, %swap3A_20, %swap3A_21] : memref<1x96x1xf32, #tpu.memory_space<vmem>>, vector<1x96x1xf32>
      %swap3A_23 = vector.shape_cast %swap3A_22 : vector<1x96x1xf32> to vector<96x1xf32>
      %swap3A_24 = vector.shape_cast %broadcast_in_dim3A_7 : vector<96x1xf32> to vector<1x96x1xf32>
      tpu.vector_store %arg4[%swap3A_19, %swap3A_20, %swap3A_21], %swap3A_24 {strides = array<i32>} : memref<1x96x1xf32, #tpu.memory_space<vmem>>, vector<1x96x1xf32>,
    } else {
    }
    %ne3A = arith.constant 0 : i32
    %ne3A_10 = arith.cmpi ne, %arg1, %ne3A : i32
    %convert_element_type3A_11 = arith.extui %ne3A_10 : i1 to i32
    %cond3A_12 = arith.constant 0 : i32
    %cond3A_13 = arith.cmpi ne, %convert_element_type3A_11, %cond3A_12 : i32
    scf.if %cond3A_13 {
      %get3A_14 = arith.constant 0 : index
      %get3A_15 = arith.constant 0 : index
      %get3A_16 = arith.constant 0 : index
      %get3A_17 = vector.load %arg3[%get3A_14, %get3A_15, %get3A_16] : memref<1x96x1xf32, #tpu.memory_space<vmem>>, vector<1x96x1xf32>
      %get3A_18 = vector.shape_cast %get3A_17 : vector<1x96x1xf32> to vector<96x1xf32>
      %add3A = arith.addf %get3A_18, %broadcast_in_dim3A : vector<96x1xf32>
      %swap3A = arith.constant 0 : index
      %swap3A_19 = arith.constant 0 : index
      %swap3A_20 = arith.constant 0 : index
      %swap3A_21 = vector.load %arg3[%swap3A, %swap3A_19, %swap3A_20] : memref<1x96x1xf32, #tpu.memory_space<vmem>>, vector<1x96x1xf32>
      %swap3A_22 = vector.shape_cast %swap3A_21 : vector<1x96x1xf32> to vector<96x1xf32>
      %swap3A_23 = vector.shape_cast %add3A : vector<96x1xf32> to vector<1x96x1xf32>
      tpu.vector_store %arg3[%swap3A, %swap3A_19, %swap3A_20], %swap3A_23 {strides = array<i32>} : memref<1x96x1xf32, #tpu.memory_space<vmem>>, vector<1x96x1xf32>,
      %get3A_24 = arith.constant 0 : index
      %get3A_25 = arith.constant 0 : index
      %get3A_26 = arith.constant 0 : index
      %get3A_27 = vector.load %arg4[%get3A_24, %get3A_25, %get3A_26] : memref<1x96x1xf32, #tpu.memory_space<vmem>>, vector<1x96x1xf32>
      %get3A_28 = vector.shape_cast %get3A_27 : vector<1x96x1xf32> to vector<96x1xf32>
      %add3A_29 = arith.addf %get3A_28, %broadcast_in_dim3A_7 : vector<96x1xf32>
      %swap3A_30 = arith.constant 0 : index
      %swap3A_31 = arith.constant 0 : index
      %swap3A_32 = arith.constant 0 : index
      %swap3A_33 = vector.load %arg4[%swap3A_30, %swap3A_31, %swap3A_32] : memref<1x96x1xf32, #tpu.memory_space<vmem>>, vector<1x96x1xf32>
      %swap3A_34 = vector.shape_cast %swap3A_33 : vector<1x96x1xf32> to vector<96x1xf32>
      %swap3A_35 = vector.shape_cast %add3A_29 : vector<96x1xf32> to vector<1x96x1xf32>
      tpu.vector_store %arg4[%swap3A_30, %swap3A_31, %swap3A_32], %swap3A_35 {strides = array<i32>} : memref<1x96x1xf32, #tpu.memory_space<vmem>>, vector<1x96x1xf32>,
    } else {
    }
    return
  }
  func.func @transform_0(%arg0: i32, %arg1: i32) -> (i32, i32, i32) {
    %c0_i32 = arith.constant 0 : i32
    %c0_i32_0 = arith.constant 0 : i32
    return %arg0, %c0_i32, %arg1 : i32, i32, i32
  }
  func.func @transform_1(%arg0: i32, %arg1: i32) -> (i32, i32, i32) {
    %c0_i32 = arith.constant 0 : i32
    %c0_i32_0 = arith.constant 0 : i32
    %c0_i32_1 = arith.constant 0 : i32
    return %arg0, %c0_i32, %c0_i32_0 : i32, i32, i32
  }
  func.func @transform_2(%arg0: i32, %arg1: i32) -> (i32, i32, i32) {
    %c0_i32 = arith.constant 0 : i32
    %c0_i32_0 = arith.constant 0 : i32
    %c0_i32_1 = arith.constant 0 : i32
    return %arg0, %c0_i32, %c0_i32_0 : i32, i32, i32
  }
}

module attributes {stable_mosaic.version = 14 : i64} {
  func.func @_apply_kernel(%arg0: i32, %arg1: i32, %arg2: memref<1x96x4096xf32, #tpu.memory_space<vmem>>, %arg3: memref<1x35x4096xf32, #tpu.memory_space<vmem>>, %arg4: memref<1x96x1xf32, #tpu.memory_space<vmem>>, %arg5: memref<1x96x1xf32, #tpu.memory_space<vmem>>, %arg6: memref<96x35xf32, #tpu.memory_space<vmem>>, %arg7: memref<96x35xf32, #tpu.memory_space<vmem>>, %arg8: memref<1x96x4096xf32, #tpu.memory_space<vmem>>) attributes {dimension_semantics = [#tpu.dimension_semantics<arbitrary>, #tpu.dimension_semantics<arbitrary>], iteration_bounds = array<i64: 2, 36>, scalar_prefetch = 0 : i64, scratch_operands = 0 : i64, tpu.core_type = #tpu.core_type<tc>, window_params = [{transform_indices = @transform_0, window_bounds = array<i64: 1, 96, 4096>}, {transform_indices = @transform_1, window_bounds = array<i64: 1, 35, 4096>}, {transform_indices = @transform_2, window_bounds = array<i64: 1, 96, 1>}, {transform_indices = @transform_3, window_bounds = array<i64: 1, 96, 1>}, {pipeline_mode = #tpu.pipeline_mode<synchronous>, transform_indices = @transform_4, window_bounds = array<i64: 96, 35>}, {pipeline_mode = #tpu.pipeline_mode<synchronous>, transform_indices = @transform_5, window_bounds = array<i64: 96, 35>}, {transform_indices = @transform_6, window_bounds = array<i64: 1, 96, 4096>}]} {
    %get3A = arith.constant 0 : index
    %get3A_0 = arith.constant 0 : index
    %get3A_1 = arith.constant 0 : index
    %get3A_2 = vector.load %arg2[%get3A, %get3A_0, %get3A_1] : memref<1x96x4096xf32, #tpu.memory_space<vmem>>, vector<1x96x4096xf32>
    %get3A_3 = vector.shape_cast %get3A_2 : vector<1x96x4096xf32> to vector<96x4096xf32>
    %get3A_4 = arith.constant 0 : index
    %get3A_5 = arith.constant 0 : index
    %get3A_6 = arith.constant 0 : index
    %get3A_7 = vector.load %arg3[%get3A_4, %get3A_5, %get3A_6] : memref<1x35x4096xf32, #tpu.memory_space<vmem>>, vector<1x35x4096xf32>
    %get3A_8 = vector.shape_cast %get3A_7 : vector<1x35x4096xf32> to vector<35x4096xf32>
    %reduce_max3A = arith.constant dense<0xFF800000> : vector<4096xf32>
    %reduce_max3A_9 = vector.multi_reduction <maximumf>, %get3A_8, %reduce_max3A [0] : vector<35x4096xf32> to vector<4096xf32>
    %broadcast_in_dim3A = vector.shape_cast %reduce_max3A_9 : vector<4096xf32> to vector<1x4096xf32>
    %iota3A = tpu.iota {dimensions = array<i32: 0>} : vector<35x1xi32>
    %eq3A = vector.broadcast %broadcast_in_dim3A : vector<1x4096xf32> to vector<35x4096xf32>
    %eq3A_10 = arith.cmpf oeq, %get3A_8, %eq3A : vector<35x4096xf32>
    %jit3A = arith.constant 35 : i32
    %broadcast_in_dim3A_11 = vector.shape_cast %iota3A : vector<35x1xi32> to vector<35x1xi32>
    %broadcast_in_dim3A_12 = vector.broadcast %broadcast_in_dim3A_11 : vector<35x1xi32> to vector<35x4096xi32>
    %broadcast_in_dim3A_13 = vector.broadcast %jit3A : i32 to vector<35x4096xi32>
    %select_n3A = arith.select %eq3A_10, %broadcast_in_dim3A_12, %broadcast_in_dim3A_13 : vector<35x4096xi1>, vector<35x4096xi32>
    %reduce_min3A = arith.constant dense<2147483647> : vector<4096xi32>
    %reduce_min3A_14 = vector.multi_reduction <minsi>, %select_n3A, %reduce_min3A [0] : vector<35x4096xi32> to vector<4096xi32>
    %broadcast_in_dim3A_15 = vector.shape_cast %reduce_min3A_14 : vector<4096xi32> to vector<1x4096xi32>
    %eq3A_16 = vector.broadcast %iota3A : vector<35x1xi32> to vector<35x4096xi32>
    %eq3A_17 = vector.broadcast %broadcast_in_dim3A_15 : vector<1x4096xi32> to vector<35x4096xi32>
    %eq3A_18 = arith.cmpi eq, %eq3A_16, %eq3A_17 : vector<35x4096xi32>
    %convert_element_type3A = arith.extui %eq3A_18 : vector<35x4096xi1> to vector<35x4096xi32>
    %convert_element_type3A_19 = arith.sitofp %convert_element_type3A : vector<35x4096xi32> to vector<35x4096xf32>
    %get3A_20 = arith.constant 0 : index
    %get3A_21 = arith.constant 0 : index
    %get3A_22 = vector.load %arg6[%get3A_20, %get3A_21] : memref<96x35xf32, #tpu.memory_space<vmem>>, vector<96x35xf32>
    %dot_general3A = arith.constant dense<0.000000e+00> : vector<96x4096xf32>
    %dot_general3A_23 = tpu.matmul %get3A_22, %convert_element_type3A_19, %dot_general3A {dimension_numbers = #tpu.dot_dimension_numbers<[1], [0], [0], [1], [0, 0, 1, 1], [], []>, transpose_lhs_hint = false} : vector<96x35xf32>, vector<35x4096xf32>, vector<96x4096xf32> -> vector<96x4096xf32>
    %get3A_24 = arith.constant 0 : index
    %get3A_25 = arith.constant 0 : index
    %get3A_26 = vector.load %arg7[%get3A_24, %get3A_25] : memref<96x35xf32, #tpu.memory_space<vmem>>, vector<96x35xf32>
    %dot_general3A_27 = arith.constant dense<0.000000e+00> : vector<96x4096xf32>
    %dot_general3A_28 = tpu.matmul %get3A_26, %convert_element_type3A_19, %dot_general3A_27 {dimension_numbers = #tpu.dot_dimension_numbers<[1], [0], [0], [1], [0, 0, 1, 1], [], []>, transpose_lhs_hint = false} : vector<96x35xf32>, vector<35x4096xf32>, vector<96x4096xf32> -> vector<96x4096xf32>
    %get3A_29 = arith.constant 0 : index
    %get3A_30 = arith.constant 0 : index
    %get3A_31 = arith.constant 0 : index
    %get3A_32 = vector.load %arg4[%get3A_29, %get3A_30, %get3A_31] : memref<1x96x1xf32, #tpu.memory_space<vmem>>, vector<1x96x1xf32>
    %get3A_33 = vector.shape_cast %get3A_32 : vector<1x96x1xf32> to vector<96x1xf32>
    %mul3A = arith.constant 6.78168407E-6 : f32
    %mul3A_34 = vector.broadcast %mul3A : f32 to vector<96x1xf32>
    %mul3A_35 = arith.mulf %get3A_33, %mul3A_34 : vector<96x1xf32>
    %get3A_36 = arith.constant 0 : index
    %get3A_37 = arith.constant 0 : index
    %get3A_38 = arith.constant 0 : index
    %get3A_39 = vector.load %arg5[%get3A_36, %get3A_37, %get3A_38] : memref<1x96x1xf32, #tpu.memory_space<vmem>>, vector<1x96x1xf32>
    %get3A_40 = vector.shape_cast %get3A_39 : vector<1x96x1xf32> to vector<96x1xf32>
    %mul3A_41 = arith.constant 6.78168407E-6 : f32
    %mul3A_42 = vector.broadcast %mul3A_41 : f32 to vector<96x1xf32>
    %mul3A_43 = arith.mulf %get3A_40, %mul3A_42 : vector<96x1xf32>
    %mul3A_44 = arith.mulf %mul3A_35, %mul3A_35 : vector<96x1xf32>
    %sub3A = arith.subf %mul3A_43, %mul3A_44 : vector<96x1xf32>
    %add3A = arith.constant 9.99999974E-6 : f32
    %add3A_45 = vector.broadcast %add3A : f32 to vector<96x1xf32>
    %add3A_46 = arith.addf %sub3A, %add3A_45 : vector<96x1xf32>
    %rsqrt3A = math.rsqrt %add3A_46 : vector<96x1xf32>
    %sub3A_47 = vector.broadcast %mul3A_35 : vector<96x1xf32> to vector<96x4096xf32>
    %sub3A_48 = arith.subf %get3A_3, %sub3A_47 : vector<96x4096xf32>
    %mul3A_49 = vector.broadcast %rsqrt3A : vector<96x1xf32> to vector<96x4096xf32>
    %mul3A_50 = arith.mulf %sub3A_48, %mul3A_49 : vector<96x4096xf32>
    %mul3A_51 = arith.mulf %mul3A_50, %dot_general3A_23 : vector<96x4096xf32>
    %add3A_52 = arith.addf %mul3A_51, %dot_general3A_28 : vector<96x4096xf32>
    %swap3A = arith.constant 0 : index
    %swap3A_53 = arith.constant 0 : index
    %swap3A_54 = arith.constant 0 : index
    %swap3A_55 = vector.load %arg8[%swap3A, %swap3A_53, %swap3A_54] : memref<1x96x4096xf32, #tpu.memory_space<vmem>>, vector<1x96x4096xf32>
    %swap3A_56 = vector.shape_cast %swap3A_55 : vector<1x96x4096xf32> to vector<96x4096xf32>
    %swap3A_57 = vector.shape_cast %add3A_52 : vector<96x4096xf32> to vector<1x96x4096xf32>
    tpu.vector_store %arg8[%swap3A, %swap3A_53, %swap3A_54], %swap3A_57 {strides = array<i32>} : memref<1x96x4096xf32, #tpu.memory_space<vmem>>, vector<1x96x4096xf32>,
    return
  }
  func.func @transform_0(%arg0: i32, %arg1: i32) -> (i32, i32, i32) {
    %c0_i32 = arith.constant 0 : i32
    %c0_i32_0 = arith.constant 0 : i32
    return %arg0, %c0_i32, %arg1 : i32, i32, i32
  }
  func.func @transform_1(%arg0: i32, %arg1: i32) -> (i32, i32, i32) {
    %c0_i32 = arith.constant 0 : i32
    %c0_i32_0 = arith.constant 0 : i32
    return %arg0, %c0_i32, %arg1 : i32, i32, i32
  }
  func.func @transform_2(%arg0: i32, %arg1: i32) -> (i32, i32, i32) {
    %c0_i32 = arith.constant 0 : i32
    %c0_i32_0 = arith.constant 0 : i32
    %c0_i32_1 = arith.constant 0 : i32
    return %arg0, %c0_i32, %c0_i32_0 : i32, i32, i32
  }
  func.func @transform_3(%arg0: i32, %arg1: i32) -> (i32, i32, i32) {
    %c0_i32 = arith.constant 0 : i32
    %c0_i32_0 = arith.constant 0 : i32
    %c0_i32_1 = arith.constant 0 : i32
    return %arg0, %c0_i32, %c0_i32_0 : i32, i32, i32
  }
  func.func @transform_4(%arg0: i32, %arg1: i32) -> (i32, i32) {
    %c0_i32 = arith.constant 0 : i32
    %c0_i32_0 = arith.constant 0 : i32
    %c0_i32_1 = arith.constant 0 : i32
    return %c0_i32, %c0_i32_0 : i32, i32
  }
  func.func @transform_5(%arg0: i32, %arg1: i32) -> (i32, i32) {
    %c0_i32 = arith.constant 0 : i32
    %c0_i32_0 = arith.constant 0 : i32
    %c0_i32_1 = arith.constant 0 : i32
    return %c0_i32, %c0_i32_0 : i32, i32
  }
  func.func @transform_6(%arg0: i32, %arg1: i32) -> (i32, i32, i32) {
    %c0_i32 = arith.constant 0 : i32
    %c0_i32_0 = arith.constant 0 : i32
    return %arg0, %c0_i32, %arg1 : i32, i32, i32
  }
}

</mosaic_0001>

<sc_bundles>
// kernel: sparse-core-data-format-call.cloned.1.call-start
scs
called_computation_lowered:
.L_overlay_start_0:
0x0: {  	s2 =	sld [smem:$0x3FD9]  }
0x1: {  	s3 =	sld [smem:$0x3FFE];
	_ =	sdelay $0x1  }
0x2: {  	s1 =	srdreg.scid  }
0x3: {  	s0 =	sand.u32 $0x1, s1  }
0x4: {  	s18 =	sshll.u32 s0, $0xA;
	s2 =	sadd.s32 s3, s2  }
0x5: {  	s2 =	sadd.s32 s2, s18  }
0x6: {  	[smem:$0x3FC4] =	sst s2  }
0x7: {  	_ = 	snop  }
0x8: {  	s2 =	sld [smem:$0x3FD0];
	(tm) =	ssettm $0x1  }
0x9: {  	s19 =	sld [smem:$0x3FFB];
	_ =	sdelay $0x3  }
0xa: {  	_ =	strace s19  }
0xb: {  	s3 =	sld [smem:$0x3FFC];
	_ =	sdelay $0x3  }
0xc: {  	_ =	strace s3  }
0xd: {  	s3 =	sld [smem:$0x3FFD];
	_ =	sdelay $0x3  }
0xe: {  	_ =	strace s3  }
0xf: {  	_ =	strace $0x8FFFFFFF  }
0x10: {  	s20 =	sld [smem:$0x3FDB];
	_ =	sdelay $0x1  }
0x11: {  	s4 =	simm.s32 $_scs_section_size  }
0x12: {  	s5 =	simm.s32 $_size__tile_overlayer_lowered;
	s6 =	simm.s32 $_tile_overlayer_lowered  }
0x13: {  	s23 =	simm.s32 $0x1BFF;
	s22 =	sshll.u32 s6, $0x1;
	s3 =	sadd.s32 s4, s20  }
0x14: {  	s7 =	simm.s32 $0x0;
	s21 =	sshll.u32 s5, $0x1;
	s5 =	sadd.s32 s22, s3  }
0x15: {  	[timem:s7], [sflag:s23] =	dma.local [hbm:s5], s21  }
0x16: {  	_ =	swait.ge [sflag:s23], s21  }
0x17: {  	s4 =	ssub.s32 $0x0, s21;
	[sflag:s23] =	ssyncset.done $0x0  }
0x18: {  	[sflag:s23] =	ssyncadd.s32 s4;
	_ =	sdelay $0x1  }
0x19: {  	s24 =	simm.s32 $0x1B8B  }
0x1a: {  	_ =	swait.ge [sflag:s24], $0x1  }
0x1b: {  	[sflag:s24] =	ssyncset.done $0x0  }
0x1c: {  	s26 =	simm.s32 $0x1B8E;
	s25 =	sld [smem:$0x3FFE];
	[sflag:s24] =	ssyncadd.s32 $0xFFFFFFFF  }
0x1d: {  	s27 =	simm.s32 $execute0_lowered;
	[smem:$0x3FD2] =	sst s26  }
0x1e: {  	s5 =	sshll.u32 s27, $0x1;
	_ =	strace $0x80000046;
	[dreg:$0x1] =	wrdreg $0xFFFFFFFF  }
0x1f: {  	s28 =	simm.s32 $_size_execute0_lowered;
	s3 =	sadd.s32 s3, s5;
	[dreg:$0x0] =	wrdreg $0x0  }
0x20: {  	s5 =	sshll.u32 s28, $0x1;
	[dreg:$0x2] =	wrdreg s3  }
0x21: {  	[dreg:$0x3] =	wrdreg s5  }
0x22: {  	[dreg:$0x4] =	wrdreg $0xC0  }
0x23: {  	_ =	task [dreg:s7], $0x5FFFF  }
0x24: {  	[dreg:$0x1] =	wrdreg $0xFFFFFFFF  }
0x25: {  	[dreg:$0x0] =	wrdreg $0x60  }
0x26: {  	[dreg:$0x2] =	wrdreg s25  }
0x27: {  	[dreg:$0x3] =	wrdreg s2  }
0x28: {  	[dreg:$0x4] =	wrdreg $0x9  }
0x29: {  	_ =	task.clear_ibuf [dreg:s7], $0x5FFFF;
	_ =	strace $0x90000046  }
0x2a: {  	s29 =	simm.s32 $0x9;
	_ =	strace $0x80000048  }
0x2b: {  	_ =	swait.ge [sflag:s29], $0x1  }
0x2c: {  	[sflag:s29] =	ssyncadd.s32 $0xFFFFFFFF  }
0x2d: {  	_ =	strace $0x90000048  }
0x2e: {  	_ =	sfence  }
0x2f: {  	s30 =	sld [smem:$0x0];
	_ =	sdelay $0x2  }
0x30: {  	s31 =	sshll.u32 s1, $0xD;
	s1 =	sshrl.u32 s1, $0x2  }
0x31: {  	s3 =	sand.u32 $0x4000, s31;
	s1 =	sadd.s32 s1, s30  }
0x32: {  	s0 =	sor.u32 s3, s0;
	s1 =	sshll.u32 s1, $0x11  }
0x33: {  	s0 =	sor.u32 s1, s0  }
0x34: {  	s0 =	sadd.s32 $0x8F2B, s0  }
0x35: {  	[sflag:s0] =	ssyncadd.remote.s32 $0x1  }
0x36: {  	_ =	sfence.sel $0xFFFF  }
0x37: {  	[dreg:$0x0] =	wrdreg $0xFFFFFFFF;
	(pc) =	sbr.abs _section_cstart, $3  }
0x38: {  	[dreg:$0x1] =	wrdreg $0xFFFFFFFF  }
0x39: {  	_ =	task.clear_ibuf [dreg:s7], $0x2FFFF;
	_ =	strace $0x9FFFFFFF  }
0x3a: {  	(tm) =	ssettm $0x7FFFFFFF  }
0x3b: {  	_ =	shalt  }
tec
execute0_lowered:
.L_overlay_start_1:
0x0: {  	(tag) =	ssettag $0x1  }
0x1: {  	s1 =	rddreg [dreg:$0x0]  }
0x2: {  	s2 =	rddreg [dreg:$0x1]  }
0x3: {  	s0 =	rddreg [dreg:$0x2];
	s4 =	srdreg.scid  }
0x4: {  	_ =	strace $0x80000047;
	s7 =	simm.s32 $0x2;
	s15 =	simm.s32 $0x0  }
0x5: {  	p0 =	por $0x0, $0x0;
	s13 =	simm.s32 $0x0;
	s16 =	simm.s32 $0x0  }
0x6: {  	s14 =	simm.s32 $0x0;
	s9 =	simm.s32 $0x0;
	s11 =	simm.s32 $0x0  }
.Ltmp0:
0x7: {  	s3 =	sadd.s32 $0x168600, s1;
	s4 =	sshll.u32 s4, $0x4;
	(pc) =	sbr.rel .LBB1_1-.Ltmp0, $4  }
0x8: {  	s1 =	stileid.u32;
	s5 =	sand.u32 $0x10, s4;
	s4 =	simm.s32 $0x1  }
0x9: {  	s8 =	simm.s32 $0x0;
	s6 =	sor.u32 s1, s5;
	[sflag:s4] =	ssyncpa.u1 $0x0  }
0xa: {  	s5 =	sand.u32 $0x3, s1;
	s6 =	sshrl.u32 s6, $0x2;
	[sflag:s7] =	ssyncpa.u1 $0x0  }
0xb: {  	s7 =	simm.s32 $0xC00;
	s12 =	smov.u32 s5;
	s10 =	smov.u32 s6  }
.LBB1_5:
0xc: {  	s17 =	sadd.s32 $0x80, s9  }
0xd: {  	s13 =	sadd.s32 $0x8, s10;
	s18 =	smov.u32 s10;
	p2 =	sgt.s32 s17, $0x17F  }
0xe: {  	s18 =	smov.u32 @p2 s13  }
0xf: {  	s19 =	smov.u32 s11;
	s13 =	sadd.s32 $0x80, s11;
	p3 =	sgt.s32 s18, $0x7  }
0x10: {  	s19 =	smov.u32 @p3 s13  }
0x11: {  	s20 =	smov.u32 s12;
	s13 =	sadd.s32 $0x4, s12;
	p4 =	sgt.s32 s19, $0x17F  }
0x12: {  	p1 =	slt.u32 s8, $0x2;
	s20 =	smov.u32 @p4 s13  }
0x13: {  	s8 =	sadd.s32 $0x1, s8;
	s17 =	simm.s32 @p2 $0x0;
	p2 =	sgt.s32 s20, $0x17  }
0x14: {  	s15 =	smov.u32 s9;
	s20 =	smov.u32 @p2 s5;
	p2 =	sne.s32 s8, $0x38  }
.Ltmp1:
0x15: {  	s16 =	smov.u32 s11;
	s21 =	simm.s32 @!p1 $0x2;
	(pc) =	sbr.rel @!p2 .LBB1_6-.Ltmp1, $4  }
0x16: {  	s14 =	smov.u32 s12;
	p0 =	por !p0, !p0;
	_ =	swait.ge @!p1 [sflag:s21], $0x4000  }
0x17: {  	[sflag:s21] =	ssyncset.done @!p1 $0x0;
	s9 =	smov.u32 s17;
	s18 =	smov.u32 @p3 s6  }
0x18: {  	[sflag:s21] =	ssyncadd.s32 @!p1 $0xFFFFC000;
	s19 =	simm.s32 @p4 $0x0;
	s13 =	smov.u32 s10  }
0x19: {  	s10 =	smov.u32 s18;
	s11 =	smov.u32 s19;
	s12 =	smov.u32 s20  }
.LBB1_1:
0x1a: {  	p1 =	sgt.u32 s8, $0x35  }
0x1b: {  	s17 =	sshrl.u32 @!p1 s10, $0x3  }
0x1c: {  	s18 =	sshll.u32 @!p1 s9, $0x3;
	s17 =	smul.u32 @!p1 $0xC00, s17  }
0x1d: {  	s19 =	sshll.u32 @!p1 s10, $0x7;
	s18 =	sand.u32 @!p1 $0xFFFFFC00, s18  }
0x1e: {  	s17 =	sadd.s32 @!p1 s17, s18;
	s18 =	sand.u32 @!p1 $0x380, s19  }
0x1f: {  	s19 =	sand.u32 @!p1 $0x7F, s9;
	s17 =	sor.u32 @!p1 s18, s17  }
0x20: {  	s18 =	sor.u32 @!p1 s19, s17  }
0x21: {  	s19 =	smulhi.u32 @!p1 $0xAAAAAAAB, s18  }
0x22: {  	s17 =	smulhi.u32 @!p1 $0xAAAAAAAB, s17  }
0x23: {  	s21 =	smul.u32 @!p1 $0x24000, s12;
	s19 =	sshrl.u32 @!p1 s19, $0x8  }
0x24: {  	s20 =	sxor.u32 @!p1 $0xFFFFFFFF, s8;
	s17 =	sshrl.u32 @!p1 s17, $0x8;
	s19 =	smul.u32 @!p1 $0x180, s19  }
0x25: {  	s22 =	smul.u32 @!p1 $0x180, s11;
	s20 =	sshll.u32 @!p1 s20, $0xE;
	s17 =	sand.u32 @!p1 $0x7, s17  }
0x26: {  	s17 =	smul.u32 @!p1 $0x30, s17;
	s18 =	ssub.s32 @!p1 s18, s19;
	s19 =	sadd.s32 @!p1 s3, s21  }
0x27: {  	s20 =	sand.u32 @!p1 $0x4000, s20;
	s19 =	sadd.s32 @!p1 s22, s19;
	s21 =	sand.u32 @!p1 $0x7, s18  }
0x28: {  	s18 =	sshrl.u32 @!p1 s18, $0x3;
	s17 =	sadd.s32 @!p1 s17, s19;
	s19 =	sshll.u32 @!p1 s21, $0x12  }
0x29: {  	s17 =	sadd.s32 @!p1 s18, s17;
	s18 =	sor.u32 @!p1 $0x80, s19;
	s19 =	simm.s32 @!p1 $0xC00  }
0x2a: {  	[tilespmem:s20], [sflag:$0x1] =	stream.strided.gather @!p1 [hbm4b:s17+s18], $0x4000, s19, s18, $0x38;
	[tilespmem:$0x10000] =	vst v63  }
0x2b: {  	p1 =	seq.s32 s8, $0x0  }
0x2c: {  	p2 =	seq.s32 @!p1 s8, $0x37  }
0x2d: {  	p1 =	por p1, p2  }
.Ltmp2:
0x2e: {  	_ = 	snop;
	(pc) =	sbr.rel @p1 .LBB1_5-.Ltmp2, $1  }
0x2f: {  	_ =	sdelay $0x3  }
0x30: {  	s17 =	simm.s32 $0x1  }
0x31: {  	s17 =	simm.s32 @!p0 $0x0  }
0x32: {  	s17 =	sshll.u32 s17, $0xE  }
0x33: {  	s18 =	sor.u32 $0x70, s17  }
0x34: {  	v1 =	vmov s18;
	_ =	sdelay $0x1  }
0x35: {  	_ =	swait.ge [sflag:s4], $0x4000  }
0x36: {  	[sflag:s4] =	ssyncset.done $0x0  }
0x37: {  	s19 =	simm.s32 $0x0;
	[sflag:s4] =	ssyncadd.s32 $0xFFFFC000  }
0x38: {  	s17 =	sor.u32 $0x8040, s17;
	v6 =	vld.idx.msk [tilespmem:v1+s19+$0x0 ss:$0x1], $0xffff  }
0x39: {  	v0 =	vmov s17;
	v8 =	vld.idx.msk [tilespmem:v1+s19+$0xFFFFFF90 ss:$0x1], $0xffff  }
0x3a: {  	v7 =	vld.idx.msk [tilespmem:v1+s19+$0xFFFFFFA0 ss:$0x1], $0xffff  }
0x3b: {  	v5 =	vld.idx.msk [tilespmem:v1+s19+$0xFFFFFFB0 ss:$0x1], $0xffff  }
0x3c: {  	v4 =	vld.idx.msk [tilespmem:v1+s19+$0xFFFFFFC0 ss:$0x1], $0xffff  }
0x3d: {  	s31 =	sshll.u32 s8, $0xE;
	v2 =	vld.idx.msk [tilespmem:v1+s19+$0xFFFFFFD0 ss:$0x1], $0xffff  }
0x3e: {  	s17 =	sand.u32 $0x4000, s31;
	v3 =	vld.idx.msk [tilespmem:v1+s19+$0xFFFFFFE0 ss:$0x1], $0xffff;
	[tilespmem:v0+s19+$0x30 ss:$0x1] =	vst.idx.msk $0xffff, v6  }
0x3f: {  	s20 =	simm.s32 $0x400;
	s18 =	simm.s32 $0x80;
	s17 =	sor.u32 $0x8000, s17;
	[tilespmem:v0+s19+$0xFFFFFFC0 ss:$0x1] =	vst.idx.msk $0xffff, v8;
	v6 =	vld.idx.msk [tilespmem:v1+s19+$0xFFFFFFF0 ss:$0x1], $0xffff  }
.LBB1_3:
0x40: {  	p1 =	sne.s32 s20, $0xFE00;
	v8 =	vld.idx.msk [tilespmem:v1+s18+$0x0 ss:$0x1], $0xffff;
	[tilespmem:v0+s19+$0xFFFFFFD0 ss:$0x1] =	vst.idx.msk $0xffff, v7  }
0x41: {  	v9 =	vld.idx.msk [tilespmem:v1+s18+$0xFFFFFF90 ss:$0x1], $0xffff;
	[tilespmem:v0+s19+$0xFFFFFFE0 ss:$0x1] =	vst.idx.msk $0xffff, v5  }
0x42: {  	v7 =	vld.idx.msk [tilespmem:v1+s18+$0xFFFFFFA0 ss:$0x1], $0xffff;
	[tilespmem:v0+s19+$0xFFFFFFF0 ss:$0x1] =	vst.idx.msk $0xffff, v4  }
.Ltmp3:
0x43: {  	v5 =	vld.idx.msk [tilespmem:v1+s18+$0xFFFFFFB0 ss:$0x1], $0xffff;
	[tilespmem:v0+s19+$0x0 ss:$0x1] =	vst.idx.msk $0xffff, v2;
	(pc) =	sbr.rel @p1 .LBB1_3-.Ltmp3, $4  }
0x44: {  	v4 =	vld.idx.msk [tilespmem:v1+s18+$0xFFFFFFC0 ss:$0x1], $0xffff;
	[tilespmem:v0+s19+$0x10 ss:$0x1] =	vst.idx.msk $0xffff, v3  }
0x45: {  	v2 =	vld.idx.msk [tilespmem:v1+s18+$0xFFFFFFD0 ss:$0x1], $0xffff;
	[tilespmem:v0+s19+$0x20 ss:$0x1] =	vst.idx.msk $0xffff, v6;
	s19 =	smov.u32 s18  }
0x46: {  	v3 =	vld.idx.msk [tilespmem:v1+s19+$0xFFFFFFE0 ss:$0x1], $0xffff;
	[tilespmem:v0+s19+$0x30 ss:$0x1] =	vst.idx.msk $0xffff, v8  }
0x47: {  	s18 =	sshra.s32 s20, $0x2;
	s20 =	sadd.s32 $0x200, s20;
	[tilespmem:v0+s19+$0xFFFFFFC0 ss:$0x1] =	vst.idx.msk $0xffff, v9;
	v6 =	vld.idx.msk [tilespmem:v1+s19+$0xFFFFFFF0 ss:$0x1], $0xffff  }
0x48: {  	s20 =	sshrl.u32 s16, $0x3  }
0x49: {  	s21 =	sshll.u32 s15, $0x3;
	s20 =	smul.u32 $0xC00, s20  }
0x4a: {  	s26 =	sshll.u32 s16, $0x7;
	s21 =	sand.u32 $0xFFFFFC00, s21  }
0x4b: {  	s16 =	sand.u32 $0x380, s26;
	s20 =	sadd.s32 s20, s21  }
0x4c: {  	[tilespmem:v0+s19+$0xFFFFFFD0 ss:$0x1] =	vst.idx.msk $0xffff, v7;
	s27 =	sand.u32 $0x7F, s15;
	s16 =	sor.u32 s16, s20  }
0x4d: {  	v56 =	vld.idx.msk [tilespmem:v1+s18+$0x0 ss:$0x1], $0xffff;
	[tilespmem:v0+s19+$0xFFFFFFE0 ss:$0x1] =	vst.idx.msk $0xffff, v5;
	s15 =	sor.u32 s27, s16;
	s16 =	smulhi.u32 $0xAAAAAAAB, s16  }
0x4e: {  	v57 =	vld.idx.msk [tilespmem:v1+s18+$0xFFFFFF90 ss:$0x1], $0xffff;
	[tilespmem:v0+s19+$0xFFFFFFF0 ss:$0x1] =	vst.idx.msk $0xffff, v4  }
0x4f: {  	v58 =	vld.idx.msk [tilespmem:v1+s18+$0xFFFFFFA0 ss:$0x1], $0xffff;
	s14 =	smul.u32 $0x24000, s14;
	[tilespmem:v0+s19+$0x0 ss:$0x1] =	vst.idx.msk $0xffff, v2;
	s16 =	sshrl.u32 s16, $0x8  }
0x50: {  	v59 =	vld.idx.msk [tilespmem:v1+s18+$0xFFFFFFB0 ss:$0x1], $0xffff;
	[tilespmem:v0+s19+$0x10 ss:$0x1] =	vst.idx.msk $0xffff, v3;
	s30 =	smulhi.u32 $0xAAAAAB, s16  }
0x51: {  	v60 =	vld.idx.msk [tilespmem:v1+s18+$0xFFFFFFC0 ss:$0x1], $0xffff;
	[tilespmem:v0+s19+$0x20 ss:$0x1] =	vst.idx.msk $0xffff, v6;
	s28 =	smulhi.u32 $0xAAAAAAAB, s15  }
0x52: {  	v61 =	vld.idx.msk [tilespmem:v1+s18+$0xFFFFFFD0 ss:$0x1], $0xffff;
	[tilespmem:v0+s18+$0x30 ss:$0x1] =	vst.idx.msk $0xffff, v56;
	s20 =	smul.u32 $0x180, s30  }
0x53: {  	v62 =	vld.idx.msk [tilespmem:v1+s18+$0xFFFFFFE0 ss:$0x1], $0xffff;
	s13 =	smul.u32 $0x4800, s13;
	[tilespmem:v0+s18+$0xFFFFFFC0 ss:$0x1] =	vst.idx.msk $0xffff, v57;
	s29 =	sshrl.u32 s28, $0x8  }
0x54: {  	v63 =	vld.idx.msk [tilespmem:v1+s18+$0xFFFFFFF0 ss:$0x1], $0xffff;
	[tilespmem:v0+s18+$0xFFFFFFD0 ss:$0x1] =	vst.idx.msk $0xffff, v58;
	s19 =	smul.u32 $0x180, s29;
	s16 =	ssub.s32 s16, s20  }
0x55: {  	[tilespmem:v0+s18+$0xFFFFFFE0 ss:$0x1] =	vst.idx.msk $0xffff, v59;
	s16 =	smul.u32 $0x30, s16  }
.Ltmp4:
0x56: {  	s14 =	sadd.s32 s2, s14;
	[tilespmem:v0+s18+$0xFFFFFFF0 ss:$0x1] =	vst.idx.msk $0xffff, v60;
	s15 =	ssub.s32 s15, s19;
	(pc) =	sbr.rel .LBB1_5-.Ltmp4, $4  }
0x57: {  	s13 =	sadd.s32 s13, s14;
	[tilespmem:v0+s18+$0x0 ss:$0x1] =	vst.idx.msk $0xffff, v61;
	s31 =	sand.u32 $0x7, s15  }
0x58: {  	[tilespmem:v0+s18+$0x10 ss:$0x1] =	vst.idx.msk $0xffff, v62;
	s15 =	sshrl.u32 s15, $0x3;
	s14 =	sshll.u32 s31, $0x12;
	s13 =	sadd.s32 s16, s13  }
0x59: {  	[tilespmem:v0+s18+$0x20 ss:$0x1] =	vst.idx.msk $0xffff, v63;
	s14 =	sor.u32 $0x400, s14;
	s13 =	sadd.s32 s15, s13  }
0x5a: {  	[hbm4b:s13+s14] =	stream.strided.scatter [tilespmem:s17], [sflag:$0x2], $0x4000, s7, s14, $0x38;
	[tilespmem:$0x10000] =	vst v63  }
.LBB1_6:
0x5b: {  	_ =	sfence.sel $0x180000  }
0x5c: {  	s2 =	simm.s32 $0x1;
	[bflag:$0x0] =	sbarrier.arrive $0xFFFF  }
0x5d: {  	s31 =	simm.s32 $0x2;
	[sflag:s2] =	ssyncpa.u1 $0x1  }
0x5e: {  	[sflag:s31] =	ssyncpa.u1 $0x1  }
0x5f: {  	p0 =	sne.s32 s1, $0x0;
	_ =	strace $0x90000047  }
0x60: {  	s0 =	sadd.s32 @!p0 $0x100000, s0;
	[bflag:$0x2] =	sbarrier.arrive $0xFFFF  }
0x61: {  	[sflag:s0] =	ssyncadd.tile.s32 @!p0 $0x1;
	_ =	shalt  }
.Lfunc_end1:
_tile_overlayer_lowered:
.L_overlay_start_2:
0x62: {  	(tag) =	ssettag $0x2  }
0x63: {  	s0 =	rddreg [dreg:$0x0];
	s2 =	stileid.u32  }
0x64: {  	s1 =	rddreg [dreg:$0x1];
	p0 =	sne.s32 s2, $0x0  }
0x65: {  	s3 =	rddreg [dreg:$0x2];
	[bflag:$0x3] =	sbarrier.arrive $0xFFFF;
	s2 =	simm.s32 @!p0 $0x1C01  }
0x66: {  	[timem:s3], [sflag:s2] =	dma.local @!p0 [hbm:s0], s1  }
0x67: {  	s0 =	simm.s32 @!p0 $0x1  }
0x68: {  	_ =	swait.ge @!p0 [sflag:s0], s1  }
0x69: {  	s1 =	ssub.s32 @!p0 $0x0, s1;
	[sflag:s0] =	ssyncset.done @!p0 $0x0  }
0x6a: {  	[sflag:s0] =	ssyncadd.s32 @!p0 s1  }
0x6b: {  	[bflag:$0x3] =	sbarrier.arrive $0xFFFF  }
0x6c: {  	_ =	shalt  }

</sc_bundles>
